<compile_context>
chip_gen: v7x
topology: tpu7x:2x2x1
jax: 0.10.2.dev20260603
libtpu: 0.0.44.dev20260713+nightly
codegen_flags: <defaults>
</compile_context>

<pallas_src>
import functools

import jax
import jax.numpy as jnp
from jax import lax
from jax.experimental import pallas as pl
from jax.experimental.pallas import tpu as pltpu
from jax.experimental.pallas import tpu_sc as plsc

_T = 0.05
_BLK = 2048


def _mm_kernel(x_ref, m_ref, o_ref):
    acc = jax.lax.dot_general(
        x_ref[...], m_ref[...],
        dimension_numbers=(((1,), (1,)), ((), ())),
        preferred_element_type=jnp.float32)
    o_ref[...] = acc / _T


_NC, _NS = 2, 16
_NW = _NC * _NS
_SC_CHUNK = 32
_SC_ROWS = 98304


def _sc_stream_probe(memory):
    rows_per_w = _SC_ROWS // _NW
    n_iters = rows_per_w // _SC_CHUNK
    mesh = plsc.VectorSubcoreMesh(core_axis_name="c", subcore_axis_name="s")

    @functools.partial(
        pl.kernel,
        out_type=jax.ShapeDtypeStruct((_NW, 2048), jnp.float32),
        mesh=mesh,
        scratch_types=[pltpu.VMEM((_SC_CHUNK, 2048), jnp.float32)],
    )
    def k(mem_hbm, out_hbm, buf):
        wid = lax.axis_index("s") * _NC + lax.axis_index("c")
        base = wid * rows_per_w

        def body(i, c):
            pltpu.sync_copy(mem_hbm.at[pl.ds(base + i * _SC_CHUNK, _SC_CHUNK)], buf)
            return c

        lax.fori_loop(0, n_iters, body, 0)
        pltpu.sync_copy(buf.at[0], out_hbm.at[wid])

    return k(memory)


def kernel(x, memory):
    return _tc_kernel(x, memory), _sc_stream_probe(memory)


def _tc_kernel(x, memory):
    b, k = x.shape
    n = memory.shape[0]
    return pl.pallas_call(
        _mm_kernel,
        grid=(pl.cdiv(n, _BLK),),
        in_specs=[
            pl.BlockSpec((b, k), lambda i: (0, 0)),
            pl.BlockSpec((_BLK, k), lambda i: (i, 0)),
        ],
        out_specs=pl.BlockSpec((b, _BLK), lambda i: (0, i)),
        out_shape=jax.ShapeDtypeStruct((b, n), jnp.float32),
        compiler_params=pltpu.CompilerParams(
            dimension_semantics=("arbitrary",),
            vmem_limit_bytes=100 * 1024 * 1024),
    )(x, memory)

# --- scband reference (transcript-rebuilt; emitter-appended) ---
"""Pipeline reference for scband-linear-average-12197707121159 (READ-ONLY COPY).

The authoritative reference and input builder live on the scoring server;
editing this copy changes nothing except your own understanding.
"""

import jax, jax.numpy as jnp
import numpy as np

INPUT_SIZE = 2048
OUTPUT_SIZE = 100000
BATCH = 32
T = 0.05

def setup_inputs(seed: int = 0) -> dict:
    key = jax.random.key(seed)
    k1, k2 = jax.random.split(key)
    x = jax.random.normal(k1, (BATCH, INPUT_SIZE), dtype=jnp.float32)
    memory = jax.random.normal(k2, (OUTPUT_SIZE, INPUT_SIZE), dtype=jnp.float32)
    # memory bank entries are L2-normalized in the original update_weight path
    memory = memory / jnp.sqrt(jnp.sum(memory * memory, axis=1, keepdims=True))
    return {"x": x, "memory": memory}

def reference(x, memory):
    # forward: out = x @ memory.T / T
    out = jnp.dot(x, memory.T) / T
    return out

if __name__ == "__main__":
    import jax
    _d = setup_inputs()
    print(jax.jit(kernel)(*tuple(_d.values())))

</pallas_src>

<mosaic_0001>
#map = affine_map<(d0, d1) -> (0, 0)>
module attributes {stable_mosaic.version = 14 : i64} {
  func.func @k(%arg0: i32, %arg1: i32, %arg2: memref<100000x2048xf32, #tpu.memory_space<hbm>>, %arg3: memref<32x2048xf32, #tpu.memory_space<hbm>>, %arg4: memref<32x2048xf32, #tpu.memory_space<vmem>>) attributes {dimension_semantics = [#tpu.dimension_semantics<core_parallel>, #tpu.dimension_semantics<subcore_parallel>], iteration_bounds = array<i64: 2, 16>, scalar_prefetch = 0 : i64, scratch_operands = 1 : i64, tpu.core_type = #tpu.core_type<sc_vector_subcore>, window_params = [{transform_indices = #map}, {transform_indices = #map}]} {
    %mul3A = arith.constant 2 : i32
    %mul3A_0 = arith.muli %arg1, %mul3A : i32
    %add3A = arith.addi %mul3A_0, %arg0 : i32
    %mul3A_1 = arith.constant 3072 : i32
    %mul3A_2 = arith.muli %add3A, %mul3A_1 : i32
    %scan3A = arith.constant 0 : i32
    %scan3A_3 = arith.constant 0 : i32
    %scan3A_4 = arith.constant 96 : i32
    %scan3A_5 = arith.addi %scan3A_3, %scan3A_4 : i32
    %scan3A_6 = arith.constant 1 : i32
    scf.for %scan3A_8 = %scan3A_3 to %scan3A_5 step %scan3A_6  : i32 {
      %mul3A_9 = arith.constant 32 : i32
      %mul3A_10 = arith.muli %scan3A_8, %mul3A_9 : i32
      %add3A_11 = arith.addi %mul3A_2, %mul3A_10 : i32
      "tpu.region"() ({
        %run_scoped3A_12 = tpu.sem_alloc : memref<!tpu.dma_semaphore, #tpu.memory_space<semaphore_mem>>
        %dma_start3A = arith.constant 0 : i32
        %dma_start3A_13 = tpu.memref_slice %arg2[%add3A_11, %dma_start3A] : memref<100000x2048xf32, #tpu.memory_space<hbm>> -> memref<32x2048xf32, #tpu.memory_space<hbm>>
        %dma_start3A_14 = arith.constant 0 : i32
        %dma_start3A_15 = tpu.memref_slice %arg2[%add3A_11, %dma_start3A_14] : memref<100000x2048xf32, #tpu.memory_space<hbm>> -> memref<32x2048xf32, #tpu.memory_space<hbm>>
        tpu.enqueue_dma source(%dma_start3A_15 : memref<32x2048xf32, #tpu.memory_space<hbm>>) target(%arg4 : memref<32x2048xf32, #tpu.memory_space<vmem>>) target_semaphore(%run_scoped3A_12 : memref<!tpu.dma_semaphore, #tpu.memory_space<semaphore_mem>>)
        %dma_wait3A = arith.constant 0 : i32
        %dma_wait3A_16 = tpu.memref_slice %arg2[%add3A_11, %dma_wait3A] : memref<100000x2048xf32, #tpu.memory_space<hbm>> -> memref<32x2048xf32, #tpu.memory_space<hbm>>
        %dma_wait3A_17 = arith.constant 0 : i32
        %dma_wait3A_18 = tpu.memref_slice %arg2[%add3A_11, %dma_wait3A_17] : memref<100000x2048xf32, #tpu.memory_space<hbm>> -> memref<32x2048xf32, #tpu.memory_space<hbm>>
        tpu.wait_dma2 semaphore(%run_scoped3A_12 : memref<!tpu.dma_semaphore, #tpu.memory_space<semaphore_mem>>) src(%dma_wait3A_18 : memref<32x2048xf32, #tpu.memory_space<hbm>>) dst(%arg4 : memref<32x2048xf32, #tpu.memory_space<vmem>>)
        tpu.yield
      }) : () -> ()
    }
    %scan3A_7 = arith.constant 96 : i32
    %run_scoped3A = arith.constant 0 : i32
    "tpu.region"() ({
      %run_scoped3A_8 = tpu.sem_alloc : memref<!tpu.dma_semaphore, #tpu.memory_space<semaphore_mem>>
      %dma_start3A = arith.constant 0 : i32
      %dma_start3A_9 = tpu.memref_slice %arg4[%run_scoped3A, %dma_start3A] : memref<32x2048xf32, #tpu.memory_space<vmem>> -> memref<1x2048xf32, #tpu.memory_space<vmem>>
      %dma_start3A_10 = tpu.memref_squeeze %dma_start3A_9 : memref<1x2048xf32, #tpu.memory_space<vmem>> -> memref<2048xf32, #tpu.memory_space<vmem>>
      %dma_start3A_11 = arith.constant 0 : i32
      %dma_start3A_12 = tpu.memref_slice %arg3[%add3A, %dma_start3A_11] : memref<32x2048xf32, #tpu.memory_space<hbm>> -> memref<1x2048xf32, #tpu.memory_space<hbm>>
      %dma_start3A_13 = tpu.memref_squeeze %dma_start3A_12 : memref<1x2048xf32, #tpu.memory_space<hbm>> -> memref<2048xf32, #tpu.memory_space<hbm>>
      %dma_start3A_14 = arith.constant 0 : i32
      %dma_start3A_15 = tpu.memref_slice %arg3[%add3A, %dma_start3A_14] : memref<32x2048xf32, #tpu.memory_space<hbm>> -> memref<1x2048xf32, #tpu.memory_space<hbm>>
      %dma_start3A_16 = tpu.memref_squeeze %dma_start3A_15 : memref<1x2048xf32, #tpu.memory_space<hbm>> -> memref<2048xf32, #tpu.memory_space<hbm>>
      %dma_start3A_17 = arith.constant 0 : i32
      %dma_start3A_18 = tpu.memref_slice %arg4[%run_scoped3A, %dma_start3A_17] : memref<32x2048xf32, #tpu.memory_space<vmem>> -> memref<1x2048xf32, #tpu.memory_space<vmem>>
      %dma_start3A_19 = tpu.memref_squeeze %dma_start3A_18 : memref<1x2048xf32, #tpu.memory_space<vmem>> -> memref<2048xf32, #tpu.memory_space<vmem>>
      tpu.enqueue_dma source(%dma_start3A_19 : memref<2048xf32, #tpu.memory_space<vmem>>) target(%dma_start3A_16 : memref<2048xf32, #tpu.memory_space<hbm>>) target_semaphore(%run_scoped3A_8 : memref<!tpu.dma_semaphore, #tpu.memory_space<semaphore_mem>>)
      %dma_wait3A = arith.constant 0 : i32
      %dma_wait3A_20 = tpu.memref_slice %arg4[%run_scoped3A, %dma_wait3A] : memref<32x2048xf32, #tpu.memory_space<vmem>> -> memref<1x2048xf32, #tpu.memory_space<vmem>>
      %dma_wait3A_21 = tpu.memref_squeeze %dma_wait3A_20 : memref<1x2048xf32, #tpu.memory_space<vmem>> -> memref<2048xf32, #tpu.memory_space<vmem>>
      %dma_wait3A_22 = arith.constant 0 : i32
      %dma_wait3A_23 = tpu.memref_slice %arg3[%add3A, %dma_wait3A_22] : memref<32x2048xf32, #tpu.memory_space<hbm>> -> memref<1x2048xf32, #tpu.memory_space<hbm>>
      %dma_wait3A_24 = tpu.memref_squeeze %dma_wait3A_23 : memref<1x2048xf32, #tpu.memory_space<hbm>> -> memref<2048xf32, #tpu.memory_space<hbm>>
      %dma_wait3A_25 = arith.constant 0 : i32
      %dma_wait3A_26 = tpu.memref_slice %arg3[%add3A, %dma_wait3A_25] : memref<32x2048xf32, #tpu.memory_space<hbm>> -> memref<1x2048xf32, #tpu.memory_space<hbm>>
      %dma_wait3A_27 = tpu.memref_squeeze %dma_wait3A_26 : memref<1x2048xf32, #tpu.memory_space<hbm>> -> memref<2048xf32, #tpu.memory_space<hbm>>
      %dma_wait3A_28 = arith.constant 0 : i32
      %dma_wait3A_29 = tpu.memref_slice %arg4[%run_scoped3A, %dma_wait3A_28] : memref<32x2048xf32, #tpu.memory_space<vmem>> -> memref<1x2048xf32, #tpu.memory_space<vmem>>
      %dma_wait3A_30 = tpu.memref_squeeze %dma_wait3A_29 : memref<1x2048xf32, #tpu.memory_space<vmem>> -> memref<2048xf32, #tpu.memory_space<vmem>>
      tpu.wait_dma2 semaphore(%run_scoped3A_8 : memref<!tpu.dma_semaphore, #tpu.memory_space<semaphore_mem>>) src(%dma_wait3A_30 : memref<2048xf32, #tpu.memory_space<vmem>>) dst(%dma_wait3A_27 : memref<2048xf32, #tpu.memory_space<hbm>>)
      tpu.yield
    }) : () -> ()
    return
  }
}

module attributes {stable_mosaic.version = 14 : i64} {
  func.func @_mm_kernel(%arg0: i32, %arg1: memref<32x2048xf32, #tpu.memory_space<vmem>>, %arg2: memref<2048x2048xf32, #tpu.memory_space<vmem>>, %arg3: memref<32x2048xf32, #tpu.memory_space<vmem>>) attributes {dimension_semantics = [#tpu.dimension_semantics<arbitrary>], iteration_bounds = array<i64: 49>, scalar_prefetch = 0 : i64, scratch_operands = 0 : i64, tpu.core_type = #tpu.core_type<tc>, window_params = [{pipeline_mode = #tpu.pipeline_mode<synchronous>, transform_indices = @transform_0, window_bounds = array<i64: 32, 2048>}, {transform_indices = @transform_1, window_bounds = array<i64: 2048, 2048>}, {transform_indices = @transform_2, window_bounds = array<i64: 32, 2048>}]} {
    %get3A = arith.constant 0 : index
    %get3A_0 = arith.constant 0 : index
    %get3A_1 = vector.load %arg1[%get3A, %get3A_0] : memref<32x2048xf32, #tpu.memory_space<vmem>>, vector<32x2048xf32>
    %get3A_2 = arith.constant 0 : index
    %get3A_3 = arith.constant 0 : index
    %get3A_4 = vector.load %arg2[%get3A_2, %get3A_3] : memref<2048x2048xf32, #tpu.memory_space<vmem>>, vector<2048x2048xf32>
    %dot_general3A = arith.constant dense<0.000000e+00> : vector<32x2048xf32>
    %dot_general3A_5 = tpu.matmul %get3A_1, %get3A_4, %dot_general3A {dimension_numbers = #tpu.dot_dimension_numbers<[1], [1], [0], [0], [0, 0, 1, 0], [], []>, transpose_lhs_hint = false} : vector<32x2048xf32>, vector<2048x2048xf32>, vector<32x2048xf32> -> vector<32x2048xf32>
    %div3A = arith.constant 5.000000e-02 : f32
    %div3A_6 = vector.broadcast %div3A : f32 to vector<32x2048xf32>
    %div3A_7 = arith.divf %dot_general3A_5, %div3A_6 : vector<32x2048xf32>
    %swap3A = arith.constant 0 : index
    %swap3A_8 = arith.constant 0 : index
    %swap3A_9 = vector.load %arg3[%swap3A, %swap3A_8] : memref<32x2048xf32, #tpu.memory_space<vmem>>, vector<32x2048xf32>
    tpu.vector_store %arg3[%swap3A, %swap3A_8], %div3A_7 {strides = array<i32>} : memref<32x2048xf32, #tpu.memory_space<vmem>>, vector<32x2048xf32>,
    return
  }
  func.func @transform_0(%arg0: i32) -> (i32, i32) {
    %c0_i32 = arith.constant 0 : i32
    %c0_i32_0 = arith.constant 0 : i32
    %c0_i32_1 = arith.constant 0 : i32
    return %c0_i32, %c0_i32_0 : i32, i32
  }
  func.func @transform_1(%arg0: i32) -> (i32, i32) {
    %c0_i32 = arith.constant 0 : i32
    %c0_i32_0 = arith.constant 0 : i32
    return %arg0, %c0_i32 : i32, i32
  }
  func.func @transform_2(%arg0: i32) -> (i32, i32) {
    %c0_i32 = arith.constant 0 : i32
    %c0_i32_0 = arith.constant 0 : i32
    return %c0_i32, %arg0 : i32, i32
  }
}

</mosaic_0001>

<sc_bundles>
// kernel: kernel.4.cloned.1.call-start
scs
__scs_entry_jumppad:
0x0: {  	(pc) =	sbr.rel $0x88, $3  }
0x1: {  	(tag) =	ssettag $0x0;
	lr =	simm.s32 $0x1  }
0x2: {  	[smem:$0x3F9F] =	sst lr;
	_ =	strace $0xD0000000  }
0x3: {  	_ = 	snop  }
0x4: {  	_ = 	snop  }
0x5: {  	_ = 	snop  }
0x6: {  	_ = 	snop  }
0x7: {  	_ = 	snop  }
__scs_overlays_trampoline_lowered:
0x8: {  	[smem:$0x3FAE] =	sst s0  }
0x9: {  	[smem:$0x3FAF] =	sst s1  }
0xa: {  	[smem:$0x3FB0] =	sst s2  }
0xb: {  	[smem:$0x3FB1] =	sst s3  }
0xc: {  	[smem:$0x3FB2] =	sst s4  }
0xd: {  	[smem:$0x3FB3] =	sst s5  }
0xe: {  	[smem:$0x3FB4] =	sst s6  }
0xf: {  	[smem:$0x3FB5] =	sst s7  }
0x10: {  	[smem:$0x3FB6] =	sst s8  }
0x11: {  	[smem:$0x3FB7] =	sst s9;
	s0 =	simm.s32 @!p0 $0x0  }
0x12: {  	s1 =	sld [smem:$0x3F9D];
	s0 =	simm.s32 @p0 $0x1  }
0x13: {  	[smem:$0x3FB8] =	sst s0;
	s0 =	simm.s32 @!p1 $0x0  }
0x14: {  	s2 =	sld [smem:$0x3F9C];
	s0 =	simm.s32 @p1 $0x1  }
0x15: {  	[smem:$0x3FB9] =	sst s0;
	s0 =	simm.s32 @!p2 $0x0  }
0x16: {  	s3 =	sld [smem:$0x3FDB];
	s0 =	simm.s32 @p2 $0x1  }
0x17: {  	s4 =	simm.s32 $0x1BF5;
	[smem:$0x3FBB] =	sst s0  }
0x18: {  	s0 =	sld [smem:$0x3F9E];
	_ =	swait.ge [sflag:s4], $0x0  }
0x19: {  	s7 =	sld [smem:$0x3F9F]  }
0x1a: {  	s8 =	sadd.s32 $0xFFFFE003, lr  }
0x1b: {  	s9 =	sadd.s32 $0xFFFFFEF7, lr;
	s5 =	simm.s32 $0xFFFFFFFF;
	p2 =	slt.u32 s8, $0xFFFFF086  }
0x1c: {  	p1 =	slt.u32 s9, $0xF7A;
	s5 =	simm.s32 @!p2 $0x0  }
0x1d: {  	s5 =	simm.s32 @p1 $0x1;
	p0 =	seq.s32 s7, s2  }
0x1e: {  	s7 =	smul.u32 @!p0 $0xF7A, s2;
	p2 =	seq.s32 @!p0 s5, $0x0  }
0x1f: {  	s9 =	smul.u32 $0xF7A, s1;
	s8 =	simm.s32 @!p0 $0x1BF5;
	p2 =	por !p2, p0  }
0x20: {  	[sflag:s8] =	ssyncset.s32 @!p0 $0xFFFFF086;
	s6 =	sadd.s32 @!p0 s3, s7;
	s7 =	simm.s32 @!p0 $0x108  }
0x21: {  	s3 =	sadd.s32 s3, s9;
	s6 =	sadd.s32 @!p0 $0x88, s6;
	s7 =	simm.s32 @p2 $0x1082  }
0x22: {  	[simem:s7], [sflag:s8] =	dma.local @!p0 [hbm:s6], $0xF7A  }
0x23: {  	s9 =	sor.u32 $0xD0000000, s2;
	s6 =	simm.s32 $0x108;
	_ =	swait.ge @!p0 [sflag:s8], $0x0  }
0x24: {  	s3 =	sadd.s32 $0x88, s3;
	s6 =	simm.s32 @!p1 $0x1082;
	[sflag:s4] =	ssyncset.s32 $0xFFFFF086  }
0x25: {  	[simem:s6], [sflag:s4] =	dma.local [hbm:s3], $0xF7A  }
0x26: {  	[smem:$0x3F9F] =	sst s1;
	(tag) =	ssettag s2;
	_ =	strace s9  }
0x27: {  	s1 =	sld [smem:$0x3FAF]  }
0x28: {  	s2 =	sld [smem:$0x3FB0]  }
0x29: {  	s4 =	sld [smem:$0x3FB2]  }
0x2a: {  	p0 =	seq.s32 s5, $0x0;
	s5 =	sld [smem:$0x3FB3]  }
0x2b: {  	s6 =	sld [smem:$0x3FB4]  }
0x2c: {  	s7 =	sld [smem:$0x3FB5]  }
0x2d: {  	s3 =	simm.s32 $0x108;
	s8 =	sld [smem:$0x3FB6]  }
0x2e: {  	s3 =	simm.s32 @!p0 $0x1082;
	s9 =	sld [smem:$0x3FB7]  }
0x2f: {  	lr =	sadd.s32 s0, s3;
	s0 =	sld [smem:$0x3FAE]  }
0x30: {  	s3 =	sld [smem:$0x3FB1]  }
0x31: {  	[smem:$0x3FBA] =	sst s10  }
0x32: {  	s10 =	sld [smem:$0x3FB8];
	_ =	sdelay $0x3  }
0x33: {  	p0 =	seq.s32 s10, $0x1;
	s10 =	sld [smem:$0x3FBA];
	_ =	sdelay $0x3  }
0x34: {  	[smem:$0x3FBA] =	sst s10  }
0x35: {  	s10 =	sld [smem:$0x3FB9];
	_ =	sdelay $0x3  }
0x36: {  	p1 =	seq.s32 s10, $0x1;
	s10 =	sld [smem:$0x3FBA];
	_ =	sdelay $0x3  }
0x37: {  	[smem:$0x3FBA] =	sst s10  }
0x38: {  	s10 =	sld [smem:$0x3FBB]  }
0x39: {  	_ = 	snop;
	(pc) =	sbr.ind lr, $3  }
0x3a: {  	_ = 	snop  }
0x3b: {  	_ = 	snop  }
0x3c: {  	p2 =	seq.s32 s10, $0x1;
	s10 =	sld [smem:$0x3FBA]  }
0x3d: {  	_ =	shalt  }
0x3e: {  	_ =	shalt  }
0x3f: {  	_ =	shalt  }
0x40: {  	_ =	shalt  }
0x41: {  	_ =	shalt  }
0x42: {  	_ =	shalt  }
0x43: {  	_ =	shalt  }
0x44: {  	_ =	shalt  }
0x45: {  	_ =	shalt  }
0x46: {  	_ =	shalt  }
0x47: {  	_ =	shalt  }
0x48: {  	_ =	shalt  }
0x49: {  	_ =	shalt  }
0x4a: {  	_ =	shalt  }
0x4b: {  	_ =	shalt  }
0x4c: {  	_ =	shalt  }
0x4d: {  	_ =	shalt  }
0x4e: {  	_ =	shalt  }
0x4f: {  	_ =	shalt  }
0x50: {  	_ =	shalt  }
0x51: {  	_ =	shalt  }
0x52: {  	_ =	shalt  }
0x53: {  	_ =	shalt  }
0x54: {  	_ =	shalt  }
0x55: {  	_ =	shalt  }
0x56: {  	_ =	shalt  }
0x57: {  	_ =	shalt  }
0x58: {  	_ =	shalt  }
0x59: {  	_ =	shalt  }
0x5a: {  	_ =	shalt  }
0x5b: {  	_ =	shalt  }
0x5c: {  	_ =	shalt  }
0x5d: {  	_ =	shalt  }
0x5e: {  	_ =	shalt  }
0x5f: {  	_ =	shalt  }
0x60: {  	_ =	shalt  }
0x61: {  	_ =	shalt  }
0x62: {  	_ =	shalt  }
0x63: {  	_ =	shalt  }
0x64: {  	_ =	shalt  }
0x65: {  	_ =	shalt  }
0x66: {  	_ =	shalt  }
0x67: {  	_ =	shalt  }
0x68: {  	_ =	shalt  }
0x69: {  	_ =	shalt  }
0x6a: {  	_ =	shalt  }
0x6b: {  	_ =	shalt  }
0x6c: {  	_ =	shalt  }
0x6d: {  	_ =	shalt  }
0x6e: {  	_ =	shalt  }
0x6f: {  	_ =	shalt  }
0x70: {  	_ =	shalt  }
0x71: {  	_ =	shalt  }
0x72: {  	_ =	shalt  }
0x73: {  	_ =	shalt  }
0x74: {  	_ =	shalt  }
0x75: {  	_ =	shalt  }
0x76: {  	_ =	shalt  }
0x77: {  	_ =	shalt  }
0x78: {  	_ =	shalt  }
0x79: {  	_ =	shalt  }
0x7a: {  	_ =	shalt  }
0x7b: {  	_ =	shalt  }
0x7c: {  	_ =	shalt  }
0x7d: {  	_ =	shalt  }
0x7e: {  	_ =	shalt  }
0x7f: {  	_ =	shalt  }
0x80: {  	_ =	shalt  }
0x81: {  	_ =	shalt  }
0x82: {  	_ =	shalt  }
0x83: {  	_ =	shalt  }
0x84: {  	_ =	shalt  }
0x85: {  	_ =	shalt  }
0x86: {  	_ =	shalt  }
0x87: {  	_ =	shalt  }
.Lfunc_end0:
.L_simem_size_0:
called_computation_lowered:
.L_overlay_start_0:
0x88: {  	s2 =	sld [smem:$0x3FD9]  }
0x89: {  	s3 =	sld [smem:$0x3FFE];
	_ =	sdelay $0x1  }
0x8a: {  	s1 =	srdreg.scid  }
0x8b: {  	s0 =	sand.u32 $0x1, s1  }
0x8c: {  	s15 =	sshll.u32 s0, $0xA;
	s2 =	sadd.s32 s3, s2  }
0x8d: {  	s2 =	sadd.s32 s2, s15  }
0x8e: {  	[smem:$0x3FC6] =	sst s2  }
0x8f: {  	_ = 	snop  }
0x90: {  	s2 =	sld [smem:$0x3FD0];
	_ =	sdelay $0x2  }
0x91: {  	s4 =	simm.s32 $0xA;
	s5 =	simm.s32 $0x10;
	s16 =	sld [smem:$0x3FC8]  }
0x92: {  	[smem:s5], [sflag:s4] =	dma.local [hbm:s2], $0x1  }
0x93: {  	_ =	swait.eq [sflag:s4], $0x1  }
0x94: {  	[sflag:s4] =	ssyncset.done $0x0  }
0x95: {  	[sflag:s4] =	ssyncadd.s32 $0xFFFFFFFF  }
0x96: {  	s17 =	sld [smem:$0x11];
	(tm) =	ssettm $0x1  }
0x97: {  	s18 =	sld [smem:$0x3FFB];
	_ =	sdelay $0x3  }
0x98: {  	_ =	strace s18  }
0x99: {  	s4 =	sld [smem:$0x3FFC];
	_ =	sdelay $0x3  }
0x9a: {  	_ =	strace s4  }
0x9b: {  	s4 =	sld [smem:$0x3FFD];
	_ =	sdelay $0x3  }
0x9c: {  	_ =	strace s4  }
0x9d: {  	_ =	strace $0x8FFFFFFF  }
0x9e: {  	s19 =	sld [smem:$0x3FDB];
	_ =	sdelay $0x1  }
0x9f: {  	s20 =	simm.s32 $_scs_section_size  }
0xa0: {  	s6 =	simm.s32 $_size__tile_overlayer_lowered;
	s7 =	simm.s32 $_tile_overlayer_lowered  }
0xa1: {  	s23 =	simm.s32 $0x1BFF;
	s22 =	sshll.u32 s7, $0x1;
	s4 =	sadd.s32 s20, s19  }
0xa2: {  	s8 =	simm.s32 $0x0;
	s21 =	sshll.u32 s6, $0x1;
	s6 =	sadd.s32 s22, s4  }
0xa3: {  	[timem:s8], [sflag:s23] =	dma.local [hbm:s6], s21  }
0xa4: {  	_ =	swait.ge [sflag:s23], s21  }
0xa5: {  	s5 =	ssub.s32 $0x0, s21;
	[sflag:s23] =	ssyncset.done $0x0  }
0xa6: {  	[sflag:s23] =	ssyncadd.s32 s5;
	_ =	sdelay $0x1  }
0xa7: {  	s24 =	simm.s32 $0x1B8B  }
0xa8: {  	_ =	swait.ge [sflag:s24], $0x1  }
0xa9: {  	[sflag:s24] =	ssyncset.done $0x0  }
0xaa: {  	s25 =	simm.s32 $0x1B8E;
	[sflag:s24] =	ssyncadd.s32 $0xFFFFFFFF  }
0xab: {  	s26 =	simm.s32 $execute0_lowered;
	[smem:$0x3FD2] =	sst s25  }
0xac: {  	s5 =	sshll.u32 s26, $0x1;
	_ =	strace $0x80000046;
	[dreg:$0x1] =	wrdreg $0xFFFFFFFF  }
0xad: {  	s28 =	simm.s32 $_size_execute0_lowered;
	s4 =	sadd.s32 s4, s5;
	[dreg:$0x0] =	wrdreg $0x0  }
0xae: {  	s5 =	sshll.u32 s28, $0x1;
	[dreg:$0x2] =	wrdreg s4  }
0xaf: {  	[dreg:$0x3] =	wrdreg s5  }
0xb0: {  	[dreg:$0x4] =	wrdreg $0xC0  }
0xb1: {  	_ =	task [dreg:s8], $0x5FFFF  }
0xb2: {  	[dreg:$0x1] =	wrdreg $0xFFFFFFFF  }
0xb3: {  	[dreg:$0x0] =	wrdreg $0x60  }
0xb4: {  	[dreg:$0x2] =	wrdreg s16  }
0xb5: {  	[dreg:$0x3] =	wrdreg s17  }
0xb6: {  	[dreg:$0x4] =	wrdreg $0x9  }
0xb7: {  	_ =	task.clear_ibuf [dreg:s8], $0x5FFFF;
	_ =	strace $0x90000046  }
0xb8: {  	s29 =	simm.s32 $0x9;
	_ =	strace $0x80000048  }
0xb9: {  	_ =	swait.ge [sflag:s29], $0x1  }
0xba: {  	[sflag:s29] =	ssyncadd.s32 $0xFFFFFFFF  }
0xbb: {  	_ =	strace $0x90000048  }
0xbc: {  	_ =	sfence  }
0xbd: {  	s30 =	sld [smem:$0x0];
	_ =	sdelay $0x2  }
0xbe: {  	s31 =	sshll.u32 s1, $0xD;
	s1 =	sshrl.u32 s1, $0x2  }
0xbf: {  	s3 =	sand.u32 $0x4000, s31;
	s1 =	sadd.s32 s1, s30  }
0xc0: {  	s0 =	sor.u32 s3, s0;
	s1 =	sshll.u32 s1, $0x11  }
0xc1: {  	s0 =	sor.u32 s1, s0  }
0xc2: {  	s0 =	sadd.s32 $0x8F2B, s0  }
0xc3: {  	[sflag:s0] =	ssyncadd.remote.s32 $0x1  }
0xc4: {  	_ =	sfence.sel $0xFFFF  }
0xc5: {  	[dreg:$0x0] =	wrdreg $0xFFFFFFFF;
	(pc) =	sbr.abs _section_cstart, $3  }
0xc6: {  	[dreg:$0x1] =	wrdreg $0xFFFFFFFF  }
0xc7: {  	_ =	task.clear_ibuf [dreg:s8], $0x2FFFF;
	_ =	strace $0x9FFFFFFF  }
0xc8: {  	(tm) =	ssettm $0x7FFFFFFF  }
0xc9: {  	_ =	shalt  }
tec
execute0_lowered:
.L_overlay_start_1:
0x0: {  	(tag) =	ssettag $0x1  }
0x1: {  	s0 =	rddreg [dreg:$0x0]  }
0x2: {  	s1 =	rddreg [dreg:$0x1]  }
0x3: {  	s2 =	srdreg.scid;
	s8 =	stileid.u32;
	s12 =	simm.s32 $0xC00  }
0x4: {  	s14 =	simm.s32 $0x1000;
	s16 =	simm.s32 $0x1400;
	s18 =	simm.s32 $0x1800  }
0x5: {  	s20 =	simm.s32 $0x1C00;
	s22 =	simm.s32 $0x2000;
	s24 =	simm.s32 $0x2400  }
0x6: {  	s28 =	simm.s32 $0x2C00;
	s29 =	simm.s32 $0x3000;
	s30 =	simm.s32 $0x3400  }
0x7: {  	s31 =	simm.s32 $0x3800;
	s3 =	sand.u32 $0x1, s2;
	s2 =	simm.s32 $0x0  }
0x8: {  	s6 =	smul.u32 $0xC00000, s8;
	s7 =	sshll.u32 s8, $0x9;
	s8 =	sshll.u32 s8, $0x5  }
0x9: {  	s4 =	ssub.s32 $0x2, s3;
	[smem:$0x7FF] =	sst s2;
	s26 =	smul.u32 $0x600000, s3  }
0xa: {  	s3 =	sshll.u32 s3, $0x4;
	s7 =	sand.u32 $0x1800, s7;
	s5 =	sshrl.u32 s4, $0x1  }
0xb: {  	_ =	strace $0x80000047;
	s3 =	sor.u32 s3, s8;
	s1 =	sadd.s32 s1, s7  }
0xc: {  	s4 =	ssub.s32 s4, s5;
	s5 =	sadd.s32 s26, s6;
	s3 =	sand.u32 $0x70, s3  }
0xd: {  	s6 =	simm.s32 $0x1;
	s26 =	simm.s32 $0x2800;
	s5 =	sshrl.u32 s5, $0x3  }
0xe: {  	s3 =	sadd.s32 s3, s1;
	s4 =	smax.u32 s4, $0x1;
	s1 =	simm.s32 $0x0  }
0xf: {  	s5 =	sadd.s32 s5, s0;
	s7 =	sadd.s32 $0x80, s3;
	s9 =	sadd.s32 $0x100, s3  }
0x10: {  	s11 =	sadd.s32 $0x180, s3;
	s13 =	sadd.s32 $0x200, s3;
	s15 =	sadd.s32 $0x280, s3  }
0x11: {  	s17 =	sadd.s32 $0x300, s3;
	s19 =	sadd.s32 $0x380, s3;
	s21 =	sadd.s32 $0x400, s3  }
0x12: {  	s23 =	sadd.s32 $0x480, s3;
	s25 =	sadd.s32 $0x500, s3;
	s0 =	simm.s32 $0x3C00  }
.LBB2_1:
0x13: {  	s8 =	sadd.s32 $0x0, s5  }
0x14: {  	[tilespmem:s2], [sflag:$0x1] =	stream.linear.gather [hbm4b:s8+s2], $0x10000, $0x38;
	[tilespmem:$0x10000] =	vst v63  }
0x15: {  	_ =	swait.ge [sflag:s6], $0x10000  }
0x16: {  	s8 =	simm.s32 $0x2000;
	[sflag:s6] =	ssyncset.done $0x0  }
.LBB2_2:
0x17: {  	s10 =	sadd.s32 s8, s5;
	[sflag:s6] =	ssyncadd.s32 $0xFFFF0000;
	p0 =	sne.s32 s8, $0xBE000  }
0x18: {  	[tilespmem:s2], [sflag:$0x1] =	stream.linear.gather [hbm4b:s10+s2], $0x10000, $0x38;
	[tilespmem:$0x10000] =	vst v63  }
.Ltmp0:
0x19: {  	_ = 	snop;
	(pc) =	sbr.rel @p0 .LBB2_2-.Ltmp0, $4  }
0x1a: {  	_ = 	snop  }
0x1b: {  	s8 =	sadd.s32 $0x2000, s8  }
0x1c: {  	_ =	swait.ge [sflag:s6], $0x10000  }
0x1d: {  	[sflag:s6] =	ssyncset.done $0x0  }
0x1e: {  	[sflag:s6] =	ssyncadd.s32 $0xFFFF0000  }
0x1f: {  	[hbm4b:s3+s2] =	stream.linear.scatter [tilespmem:s2], [sflag:$0x1], $0x80, $0x38;
	[tilespmem:$0x10000] =	vst v63  }
0x20: {  	s8 =	simm.s32 $0x400  }
0x21: {  	[hbm4b:s7+s2] =	stream.linear.scatter [tilespmem:s8], [sflag:$0x1], $0x80, $0x38;
	[tilespmem:$0x10000] =	vst v63  }
0x22: {  	s10 =	simm.s32 $0x800  }
0x23: {  	[hbm4b:s9+s2] =	stream.linear.scatter [tilespmem:s10], [sflag:$0x1], $0x80, $0x38;
	[tilespmem:$0x10000] =	vst v63  }
0x24: {  	_ = 	snop  }
0x25: {  	[hbm4b:s11+s2] =	stream.linear.scatter [tilespmem:s12], [sflag:$0x1], $0x80, $0x38;
	[tilespmem:$0x10000] =	vst v63  }
0x26: {  	_ = 	snop  }
0x27: {  	[hbm4b:s13+s2] =	stream.linear.scatter [tilespmem:s14], [sflag:$0x1], $0x80, $0x38;
	[tilespmem:$0x10000] =	vst v63  }
0x28: {  	_ = 	snop  }
0x29: {  	[hbm4b:s15+s2] =	stream.linear.scatter [tilespmem:s16], [sflag:$0x1], $0x80, $0x38;
	[tilespmem:$0x10000] =	vst v63  }
0x2a: {  	_ = 	snop  }
0x2b: {  	[hbm4b:s17+s2] =	stream.linear.scatter [tilespmem:s18], [sflag:$0x1], $0x80, $0x38;
	[tilespmem:$0x10000] =	vst v63  }
0x2c: {  	_ = 	snop  }
0x2d: {  	[hbm4b:s19+s2] =	stream.linear.scatter [tilespmem:s20], [sflag:$0x1], $0x80, $0x38;
	[tilespmem:$0x10000] =	vst v63  }
0x2e: {  	_ = 	snop  }
0x2f: {  	[hbm4b:s21+s2] =	stream.linear.scatter [tilespmem:s22], [sflag:$0x1], $0x80, $0x38;
	[tilespmem:$0x10000] =	vst v63  }
0x30: {  	_ = 	snop  }
0x31: {  	[hbm4b:s23+s2] =	stream.linear.scatter [tilespmem:s24], [sflag:$0x1], $0x80, $0x38;
	[tilespmem:$0x10000] =	vst v63  }
0x32: {  	_ = 	snop  }
0x33: {  	[hbm4b:s25+s2] =	stream.linear.scatter [tilespmem:s26], [sflag:$0x1], $0x80, $0x38;
	[tilespmem:$0x10000] =	vst v63  }
0x34: {  	s10 =	sadd.s32 $0x580, s3  }
0x35: {  	[hbm4b:s10+s2] =	stream.linear.scatter [tilespmem:s28], [sflag:$0x1], $0x80, $0x38;
	[tilespmem:$0x10000] =	vst v63  }
0x36: {  	s10 =	sadd.s32 $0x600, s3  }
0x37: {  	[hbm4b:s10+s2] =	stream.linear.scatter [tilespmem:s29], [sflag:$0x1], $0x80, $0x38;
	[tilespmem:$0x10000] =	vst v63  }
0x38: {  	s1 =	sadd.s32 $0x1, s1;
	s10 =	sadd.s32 $0x680, s3  }
0x39: {  	[hbm4b:s10+s2] =	stream.linear.scatter [tilespmem:s30], [sflag:$0x1], $0x80, $0x38;
	[tilespmem:$0x10000] =	vst v63  }
0x3a: {  	p0 =	sne.s32 s1, s4;
	s10 =	sadd.s32 $0x700, s3  }
0x3b: {  	[hbm4b:s10+s2] =	stream.linear.scatter [tilespmem:s31], [sflag:$0x1], $0x80, $0x38;
	[tilespmem:$0x10000] =	vst v63  }
.Ltmp1:
0x3c: {  	s10 =	sadd.s32 $0x780, s3;
	(pc) =	sbr.rel @p0 .LBB2_1-.Ltmp1, $4  }
0x3d: {  	[hbm4b:s10+s2] =	stream.linear.scatter [tilespmem:s0], [sflag:$0x1], $0x80, $0x38;
	[tilespmem:$0x10000] =	vst v63  }
0x3e: {  	_ =	swait.ge [sflag:s6], $0x800  }
0x3f: {  	[sflag:s6] =	ssyncset.done $0x0  }
0x40: {  	[sflag:s6] =	ssyncadd.s32 $0xFFFFF800  }
0x41: {  	_ =	sfence.sel $0x180000  }
0x42: {  	[bflag:$0x0] =	sbarrier.arrive $0xFFFF  }
0x43: {  	_ =	strace $0x90000047  }
0x44: {  	s0 =	stileid.u32;
	[bflag:$0x2] =	sbarrier.arrive $0xFFFF  }
0x45: {  	p0 =	sne.s32 s0, $0x0;
	s0 =	rddreg [dreg:$0x2]  }
0x46: {  	s0 =	sadd.s32 @!p0 $0x100000, s0  }
0x47: {  	[sflag:s0] =	ssyncadd.tile.s32 @!p0 $0x1;
	_ =	shalt  }
.Lfunc_end2:
_tile_overlayer_lowered:
.L_overlay_start_2:
0x48: {  	(tag) =	ssettag $0x2  }
0x49: {  	s0 =	rddreg [dreg:$0x0];
	s2 =	stileid.u32  }
0x4a: {  	s1 =	rddreg [dreg:$0x1];
	p0 =	sne.s32 s2, $0x0  }
0x4b: {  	s3 =	rddreg [dreg:$0x2];
	[bflag:$0x3] =	sbarrier.arrive $0xFFFF;
	s2 =	simm.s32 @!p0 $0x1C01  }
0x4c: {  	[timem:s3], [sflag:s2] =	dma.local @!p0 [hbm:s0], s1  }
0x4d: {  	s0 =	simm.s32 @!p0 $0x1  }
0x4e: {  	_ =	swait.ge @!p0 [sflag:s0], s1  }
0x4f: {  	s1 =	ssub.s32 @!p0 $0x0, s1;
	[sflag:s0] =	ssyncset.done @!p0 $0x0  }
0x50: {  	[sflag:s0] =	ssyncadd.s32 @!p0 s1  }
0x51: {  	[bflag:$0x3] =	sbarrier.arrive $0xFFFF  }
0x52: {  	_ =	shalt  }

</sc_bundles>
